<compile_context>
chip_gen: v7x
topology: tpu7x:2x2x1
jax: 0.10.2.dev20260603
libtpu: 0.0.44.dev20260713+nightly
codegen_flags: <defaults>
</compile_context>

<pallas_src>
import jax
import jax.numpy as jnp
from jax import lax
from jax.experimental import pallas as pl
from jax.experimental.pallas import tpu as pltpu
from jax.experimental.pallas import tpu_sc as plsc

B = 16384
F = 26
V = 100000
E = 64

NC = 2
NS = 16
NW = NC * NS

ROWS = B * F
IDX_ROWS = ROWS // 128
IDX_PER_W = IDX_ROWS // NW


def _sc_gather_body(table_hbm, idx_hbm, out_hbm, idx_v, rows_v, sem0, sem1):
    wid = lax.axis_index("s") * NC + lax.axis_index("c")
    row_base = wid * IDX_PER_W
    pltpu.sync_copy(idx_hbm.at[pl.ds(row_base, IDX_PER_W)], idx_v)

    def start(j, buf, sem):
        pltpu.async_copy(table_hbm.at[idx_v.at[j]], rows_v.at[buf], sem)

    def drain_write(j, buf, sem):
        pltpu.make_async_copy(table_hbm.at[idx_v.at[j]], rows_v.at[buf], sem).wait()
        pltpu.sync_copy(rows_v.at[buf], out_hbm.at[pl.ds((row_base + j) * 128, 128)])

    start(0, 0, sem0)

    def step(j, _):
        buf = lax.rem(j, 2)

        @pl.when(j + 1 < IDX_PER_W)
        def _():
            lax.cond(buf == 0,
                     lambda: start(j + 1, 1, sem1),
                     lambda: start(j + 1, 0, sem0))
        lax.cond(buf == 0,
                 lambda: drain_write(j, 0, sem0),
                 lambda: drain_write(j, 1, sem1))
        return 0

    lax.fori_loop(0, IDX_PER_W, step, 0)


def _sc_gather(tables2, idx2d):
    mesh = plsc.VectorSubcoreMesh(core_axis_name="c", subcore_axis_name="s",
                                  num_cores=NC, num_subcores=NS)
    return pl.kernel(
        _sc_gather_body,
        out_type=jax.ShapeDtypeStruct((ROWS, E), jnp.float32),
        mesh=mesh,
        compiler_params=pltpu.CompilerParams(use_tc_tiling_on_sc=False),
        scratch_types=[
            pltpu.VMEM((IDX_PER_W, 128), jnp.int32),
            pltpu.VMEM((2, 128, E), jnp.float32),
            pltpu.SemaphoreType.DMA,
            pltpu.SemaphoreType.DMA,
        ],
    )(tables2, idx2d)


BT = 512


def _tc_body(g_ref, xn_ref, wc_ref, wn_ref, bn_ref, wf_ref, bf_ref, out_ref):
    num = jnp.dot(xn_ref[...], wn_ref[...],
                  preferred_element_type=jnp.float32) + bn_ref[...]
    acc = jnp.dot(g_ref[...], wc_ref[...], preferred_element_type=jnp.float32)
    acc += jnp.dot(num, wf_ref[...], preferred_element_type=jnp.float32)
    out_ref[...] = acc + bf_ref[...]


def _tc_matmul(g, X_num, W_cat, W_num, b_num, W_fnum, b_final):
    grid = (B // BT,)
    return pl.pallas_call(
        _tc_body,
        grid=grid,
        in_specs=[
            pl.BlockSpec((BT, F * E), lambda i: (i, 0)),
            pl.BlockSpec((BT, X_num.shape[1]), lambda i: (i, 0)),
            pl.BlockSpec((F * E, E), lambda i: (0, 0)),
            pl.BlockSpec((X_num.shape[1], E), lambda i: (0, 0)),
            pl.BlockSpec((1, E), lambda i: (0, 0)),
            pl.BlockSpec((E, E), lambda i: (0, 0)),
            pl.BlockSpec((1, E), lambda i: (0, 0)),
        ],
        out_specs=pl.BlockSpec((BT, E), lambda i: (i, 0)),
        out_shape=jax.ShapeDtypeStruct((B, E), jnp.float32),
    )(g, X_num, W_cat, W_num, b_num, W_fnum, b_final)


def kernel(X_cat, X_num, tables, W_num, b_num, W_final, b_final):
    tables2 = tables.reshape(F * V, E)
    idx_flat = (X_cat.astype(jnp.int32)
                + (jnp.arange(F, dtype=jnp.int32) * V)[None, :])
    idx2d = idx_flat.reshape(IDX_ROWS, 128)
    g = _sc_gather(tables2, idx2d).reshape(B, F * E)
    W_cat = W_final[:F * E]
    W_fnum = W_final[F * E:]
    out = _tc_matmul(g, X_num, W_cat, W_num,
                     b_num.reshape(1, E), W_fnum, b_final.reshape(1, E))
    return out

# --- scband reference (transcript-rebuilt; emitter-appended) ---
"""Pipeline reference for scband-embedder-16312285790818 (READ-ONLY COPY).

The authoritative reference and input builder live on the scoring server;
editing this copy changes nothing except your own understanding.
"""

import jax, jax.numpy as jnp
import numpy as np

B = 16384
F = 26
V = 100000
E = 64
NNF = 13

def setup_inputs(seed: int = 0) -> dict:
    key = jax.random.key(seed)
    ks = jax.random.split(key, 6)
    X_cat = jax.random.randint(ks[0], (B, F), 0, V)
    X_num = jax.random.normal(ks[1], (B, NNF), dtype=jnp.float32)
    # 26 embedding tables, each [V, E]; stacked for convenience
    tables = jax.random.normal(ks[2], (F, V, E), dtype=jnp.float32) * 0.02
    # numerical embedder: Linear(NNF -> E)
    W_num = jax.random.normal(ks[3], (NNF, E), dtype=jnp.float32) * 0.05
    b_num = jnp.zeros((E,), dtype=jnp.float32)
    # final embedding: Linear(F*E + E -> E)
    W_final = jax.random.normal(ks[4], (F * E + E, E), dtype=jnp.float32) * 0.02
    b_final = jnp.zeros((E,), dtype=jnp.float32)
    return {"X_cat": X_cat, "X_num": X_num, "tables": tables,
            "W_num": W_num, "b_num": b_num,
            "W_final": W_final, "b_final": b_final}

def reference(X_cat, X_num, tables, W_num, b_num, W_final, b_final):
    # CategoricalEmbedder: per-field embedding lookup, concatenated along feature dim
    # tables: [F, V, E], X_cat: [B, F] -> gather per field -> [F, B, E]
    cat = jax.vmap(lambda t, idx: jnp.take(t, idx, axis=0), in_axes=(0, 1))(tables, X_cat)
    cat = jnp.transpose(cat, (1, 0, 2)).reshape(X_cat.shape[0], F * E)  # [B, F*E]
    # numerical embedder (no numerical_moments normalisation)
    num = X_num @ W_num + b_num  # [B, E]
    feats = jnp.concatenate([cat, num], axis=1)  # [B, F*E + E]
    out = feats @ W_final + b_final  # [B, E]
    return out

if __name__ == "__main__":
    import jax
    _d = setup_inputs()
    print(jax.jit(kernel)(*tuple(_d.values())))

</pallas_src>

<mosaic_0001>
#map = affine_map<(d0, d1) -> (0, 0)>
module attributes {stable_mosaic.version = 14 : i64} {
  func.func @_sc_gather_body(%arg0: i32, %arg1: i32, %arg2: memref<2600000x64xf32, #tpu.memory_space<hbm>>, %arg3: memref<3328x128xi32, #tpu.memory_space<hbm>>, %arg4: memref<425984x64xf32, #tpu.memory_space<hbm>>, %arg5: memref<104x128xi32, #tpu.memory_space<vmem>>, %arg6: memref<2x128x64xf32, #tpu.memory_space<vmem>>, %arg7: memref<!tpu.dma_semaphore, #tpu.memory_space<semaphore_mem>>, %arg8: memref<!tpu.dma_semaphore, #tpu.memory_space<semaphore_mem>>) attributes {dimension_semantics = [#tpu.dimension_semantics<core_parallel>, #tpu.dimension_semantics<subcore_parallel>], iteration_bounds = array<i64: 2, 16>, scalar_prefetch = 0 : i64, scratch_operands = 4 : i64, tpu.core_type = #tpu.core_type<sc_vector_subcore>, window_params = [{transform_indices = #map}, {transform_indices = #map}, {transform_indices = #map}]} {
    %mul3A = arith.constant 2 : i32
    %mul3A_0 = arith.muli %arg1, %mul3A : i32
    %add3A = arith.addi %mul3A_0, %arg0 : i32
    %mul3A_1 = arith.constant 104 : i32
    %mul3A_2 = arith.muli %add3A, %mul3A_1 : i32
    "tpu.region"() ({
      %run_scoped3A = tpu.sem_alloc : memref<!tpu.dma_semaphore, #tpu.memory_space<semaphore_mem>>
      %dma_start3A_20 = arith.constant 0 : i32
      %dma_start3A_21 = tpu.memref_slice %arg3[%mul3A_2, %dma_start3A_20] : memref<3328x128xi32, #tpu.memory_space<hbm>> -> memref<104x128xi32, #tpu.memory_space<hbm>>
      %dma_start3A_22 = arith.constant 0 : i32
      %dma_start3A_23 = tpu.memref_slice %arg3[%mul3A_2, %dma_start3A_22] : memref<3328x128xi32, #tpu.memory_space<hbm>> -> memref<104x128xi32, #tpu.memory_space<hbm>>
      tpu.enqueue_dma source(%dma_start3A_23 : memref<104x128xi32, #tpu.memory_space<hbm>>) target(%arg5 : memref<104x128xi32, #tpu.memory_space<vmem>>) target_semaphore(%run_scoped3A : memref<!tpu.dma_semaphore, #tpu.memory_space<semaphore_mem>>)
      %dma_wait3A = arith.constant 0 : i32
      %dma_wait3A_24 = tpu.memref_slice %arg3[%mul3A_2, %dma_wait3A] : memref<3328x128xi32, #tpu.memory_space<hbm>> -> memref<104x128xi32, #tpu.memory_space<hbm>>
      %dma_wait3A_25 = arith.constant 0 : i32
      %dma_wait3A_26 = tpu.memref_slice %arg3[%mul3A_2, %dma_wait3A_25] : memref<3328x128xi32, #tpu.memory_space<hbm>> -> memref<104x128xi32, #tpu.memory_space<hbm>>
      tpu.wait_dma2 semaphore(%run_scoped3A : memref<!tpu.dma_semaphore, #tpu.memory_space<semaphore_mem>>) src(%dma_wait3A_26 : memref<104x128xi32, #tpu.memory_space<hbm>>) dst(%arg5 : memref<104x128xi32, #tpu.memory_space<vmem>>)
      tpu.yield
    }) : () -> ()
    %dma_start3A = arith.constant 0 : i32
    %dma_start3A_3 = arith.constant 0 : i32
    %dma_start3A_4 = arith.constant 0 : i32
    %dma_start3A_5 = arith.constant 0 : i32
    %dma_start3A_6 = tpu.memref_slice %arg6[%dma_start3A_3, %dma_start3A_4, %dma_start3A_5] : memref<2x128x64xf32, #tpu.memory_space<vmem>> -> memref<1x128x64xf32, #tpu.memory_space<vmem>>
    %dma_start3A_7 = tpu.memref_squeeze %dma_start3A_6 : memref<1x128x64xf32, #tpu.memory_space<vmem>> -> memref<128x64xf32, #tpu.memory_space<vmem>>
    %dma_start3A_8 = arith.constant 0 : i32
    %dma_start3A_9 = tpu.memref_slice %arg5[%dma_start3A, %dma_start3A_8] : memref<104x128xi32, #tpu.memory_space<vmem>> -> memref<1x128xi32, #tpu.memory_space<vmem>>
    %dma_start3A_10 = tpu.memref_squeeze %dma_start3A_9 : memref<1x128xi32, #tpu.memory_space<vmem>> -> memref<128xi32, #tpu.memory_space<vmem>>
    %dma_start3A_11 = arith.constant 0 : i32
    %dma_start3A_12 = arith.constant 0 : i32
    %dma_start3A_13 = tpu.memref_slice %arg2[%dma_start3A_11, %dma_start3A_12] : memref<2600000x64xf32, #tpu.memory_space<hbm>> -> memref<2600000x64xf32, #tpu.memory_space<hbm>>
    tpu.enqueue_indirect_dma source(%dma_start3A_13 : memref<2600000x64xf32, #tpu.memory_space<hbm>>) target(%dma_start3A_7 : memref<128x64xf32, #tpu.memory_space<vmem>>) offsets(%dma_start3A_10 : memref<128xi32, #tpu.memory_space<vmem>>) semaphore(%arg7 : memref<!tpu.dma_semaphore, #tpu.memory_space<semaphore_mem>>)
    %scan3A = arith.constant 0 : i32
    %scan3A_14 = arith.constant 0 : i32
    %scan3A_15 = arith.constant 104 : i32
    %scan3A_16 = arith.addi %scan3A_14, %scan3A_15 : i32
    %scan3A_17 = arith.constant 1 : i32
    %scan3A_18 = scf.for %scan3A_20 = %scan3A_14 to %scan3A_16 step %scan3A_17 iter_args(%scan3A_21 = %scan3A) -> (i32)  : i32 {
      %rem3A = arith.constant 2 : i32
      %rem3A_22 = arith.remsi %scan3A_20, %rem3A : i32
      %add3A_23 = arith.constant 1 : i32
      %add3A_24 = arith.addi %scan3A_20, %add3A_23 : i32
      %lt3A = arith.constant 104 : i32
      %lt3A_25 = arith.cmpi slt, %add3A_24, %lt3A : i32
      %convert_element_type3A = arith.extui %lt3A_25 : i1 to i32
      %cond3A = arith.constant 0 : i32
      %cond3A_26 = arith.cmpi ne, %convert_element_type3A, %cond3A : i32
      scf.if %cond3A_26 {
        %eq3A_32 = arith.constant 0 : i32
        %eq3A_33 = arith.cmpi eq, %rem3A_22, %eq3A_32 : i32
        %convert_element_type3A_34 = arith.extui %eq3A_33 : i1 to i32
        %cond3A_35 = arith.constant 0 : i32
        %cond3A_36 = arith.cmpi ne, %convert_element_type3A_34, %cond3A_35 : i32
        scf.if %cond3A_36 {
          %add3A_37 = arith.constant 1 : i32
          %add3A_38 = arith.addi %scan3A_20, %add3A_37 : i32
          %dma_start3A_39 = arith.constant 1 : i32
          %dma_start3A_40 = arith.constant 0 : i32
          %dma_start3A_41 = arith.constant 0 : i32
          %dma_start3A_42 = tpu.memref_slice %arg6[%dma_start3A_39, %dma_start3A_40, %dma_start3A_41] : memref<2x128x64xf32, #tpu.memory_space<vmem>> -> memref<1x128x64xf32, #tpu.memory_space<vmem>>
          %dma_start3A_43 = tpu.memref_squeeze %dma_start3A_42 : memref<1x128x64xf32, #tpu.memory_space<vmem>> -> memref<128x64xf32, #tpu.memory_space<vmem>>
          %dma_start3A_44 = arith.constant 0 : i32
          %dma_start3A_45 = tpu.memref_slice %arg5[%add3A_38, %dma_start3A_44] : memref<104x128xi32, #tpu.memory_space<vmem>> -> memref<1x128xi32, #tpu.memory_space<vmem>>
          %dma_start3A_46 = tpu.memref_squeeze %dma_start3A_45 : memref<1x128xi32, #tpu.memory_space<vmem>> -> memref<128xi32, #tpu.memory_space<vmem>>
          %dma_start3A_47 = arith.constant 0 : i32
          %dma_start3A_48 = arith.constant 0 : i32
          %dma_start3A_49 = tpu.memref_slice %arg2[%dma_start3A_47, %dma_start3A_48] : memref<2600000x64xf32, #tpu.memory_space<hbm>> -> memref<2600000x64xf32, #tpu.memory_space<hbm>>
          tpu.enqueue_indirect_dma source(%dma_start3A_49 : memref<2600000x64xf32, #tpu.memory_space<hbm>>) target(%dma_start3A_43 : memref<128x64xf32, #tpu.memory_space<vmem>>) offsets(%dma_start3A_46 : memref<128xi32, #tpu.memory_space<vmem>>) semaphore(%arg8 : memref<!tpu.dma_semaphore, #tpu.memory_space<semaphore_mem>>)
        } else {
          %add3A_37 = arith.constant 1 : i32
          %add3A_38 = arith.addi %scan3A_20, %add3A_37 : i32
          %dma_start3A_39 = arith.constant 0 : i32
          %dma_start3A_40 = arith.constant 0 : i32
          %dma_start3A_41 = arith.constant 0 : i32
          %dma_start3A_42 = tpu.memref_slice %arg6[%dma_start3A_39, %dma_start3A_40, %dma_start3A_41] : memref<2x128x64xf32, #tpu.memory_space<vmem>> -> memref<1x128x64xf32, #tpu.memory_space<vmem>>
          %dma_start3A_43 = tpu.memref_squeeze %dma_start3A_42 : memref<1x128x64xf32, #tpu.memory_space<vmem>> -> memref<128x64xf32, #tpu.memory_space<vmem>>
          %dma_start3A_44 = arith.constant 0 : i32
          %dma_start3A_45 = tpu.memref_slice %arg5[%add3A_38, %dma_start3A_44] : memref<104x128xi32, #tpu.memory_space<vmem>> -> memref<1x128xi32, #tpu.memory_space<vmem>>
          %dma_start3A_46 = tpu.memref_squeeze %dma_start3A_45 : memref<1x128xi32, #tpu.memory_space<vmem>> -> memref<128xi32, #tpu.memory_space<vmem>>
          %dma_start3A_47 = arith.constant 0 : i32
          %dma_start3A_48 = arith.constant 0 : i32
          %dma_start3A_49 = tpu.memref_slice %arg2[%dma_start3A_47, %dma_start3A_48] : memref<2600000x64xf32, #tpu.memory_space<hbm>> -> memref<2600000x64xf32, #tpu.memory_space<hbm>>
          tpu.enqueue_indirect_dma source(%dma_start3A_49 : memref<2600000x64xf32, #tpu.memory_space<hbm>>) target(%dma_start3A_43 : memref<128x64xf32, #tpu.memory_space<vmem>>) offsets(%dma_start3A_46 : memref<128xi32, #tpu.memory_space<vmem>>) semaphore(%arg7 : memref<!tpu.dma_semaphore, #tpu.memory_space<semaphore_mem>>)
        }
      } else {
      }
      %eq3A = arith.constant 0 : i32
      %eq3A_27 = arith.cmpi eq, %rem3A_22, %eq3A : i32
      %convert_element_type3A_28 = arith.extui %eq3A_27 : i1 to i32
      %cond3A_29 = arith.constant 0 : i32
      %cond3A_30 = arith.cmpi ne, %convert_element_type3A_28, %cond3A_29 : i32
      scf.if %cond3A_30 {
        %dma_wait3A = arith.constant 0 : i32
        %dma_wait3A_32 = arith.constant 0 : i32
        %dma_wait3A_33 = arith.constant 0 : i32
        %dma_wait3A_34 = tpu.memref_slice %arg6[%dma_wait3A, %dma_wait3A_32, %dma_wait3A_33] : memref<2x128x64xf32, #tpu.memory_space<vmem>> -> memref<1x128x64xf32, #tpu.memory_space<vmem>>
        %dma_wait3A_35 = tpu.memref_squeeze %dma_wait3A_34 : memref<1x128x64xf32, #tpu.memory_space<vmem>> -> memref<128x64xf32, #tpu.memory_space<vmem>>
        %dma_wait3A_36 = arith.constant 0 : i32
        %dma_wait3A_37 = tpu.memref_slice %arg5[%scan3A_20, %dma_wait3A_36] : memref<104x128xi32, #tpu.memory_space<vmem>> -> memref<1x128xi32, #tpu.memory_space<vmem>>
        %dma_wait3A_38 = tpu.memref_squeeze %dma_wait3A_37 : memref<1x128xi32, #tpu.memory_space<vmem>> -> memref<128xi32, #tpu.memory_space<vmem>>
        %dma_wait3A_39 = arith.constant 0 : i32
        %dma_wait3A_40 = arith.constant 0 : i32
        %dma_wait3A_41 = tpu.memref_slice %arg2[%dma_wait3A_39, %dma_wait3A_40] : memref<2600000x64xf32, #tpu.memory_space<hbm>> -> memref<2600000x64xf32, #tpu.memory_space<hbm>>
        tpu.wait_indirect_dma semaphore(%arg7 : memref<!tpu.dma_semaphore, #tpu.memory_space<semaphore_mem>>) src(%dma_wait3A_41 : memref<2600000x64xf32, #tpu.memory_space<hbm>>) dst(%dma_wait3A_35 : memref<128x64xf32, #tpu.memory_space<vmem>>)
        %add3A_42 = arith.addi %mul3A_2, %scan3A_20 : i32
        %mul3A_43 = arith.constant 128 : i32
        %mul3A_44 = arith.muli %add3A_42, %mul3A_43 : i32
        %run_scoped3A = arith.constant 0 : i32
        "tpu.region"() ({
          %run_scoped3A_45 = tpu.sem_alloc : memref<!tpu.dma_semaphore, #tpu.memory_space<semaphore_mem>>
          %dma_start3A_46 = arith.constant 0 : i32
          %dma_start3A_47 = arith.constant 0 : i32
          %dma_start3A_48 = tpu.memref_slice %arg6[%run_scoped3A, %dma_start3A_46, %dma_start3A_47] : memref<2x128x64xf32, #tpu.memory_space<vmem>> -> memref<1x128x64xf32, #tpu.memory_space<vmem>>
          %dma_start3A_49 = tpu.memref_squeeze %dma_start3A_48 : memref<1x128x64xf32, #tpu.memory_space<vmem>> -> memref<128x64xf32, #tpu.memory_space<vmem>>
          %dma_start3A_50 = arith.constant 0 : i32
          %dma_start3A_51 = tpu.memref_slice %arg4[%mul3A_44, %dma_start3A_50] : memref<425984x64xf32, #tpu.memory_space<hbm>> -> memref<128x64xf32, #tpu.memory_space<hbm>>
          %dma_start3A_52 = arith.constant 0 : i32
          %dma_start3A_53 = tpu.memref_slice %arg4[%mul3A_44, %dma_start3A_52] : memref<425984x64xf32, #tpu.memory_space<hbm>> -> memref<128x64xf32, #tpu.memory_space<hbm>>
          %dma_start3A_54 = arith.constant 0 : i32
          %dma_start3A_55 = arith.constant 0 : i32
          %dma_start3A_56 = tpu.memref_slice %arg6[%run_scoped3A, %dma_start3A_54, %dma_start3A_55] : memref<2x128x64xf32, #tpu.memory_space<vmem>> -> memref<1x128x64xf32, #tpu.memory_space<vmem>>
          %dma_start3A_57 = tpu.memref_squeeze %dma_start3A_56 : memref<1x128x64xf32, #tpu.memory_space<vmem>> -> memref<128x64xf32, #tpu.memory_space<vmem>>
          tpu.enqueue_dma source(%dma_start3A_57 : memref<128x64xf32, #tpu.memory_space<vmem>>) target(%dma_start3A_53 : memref<128x64xf32, #tpu.memory_space<hbm>>) target_semaphore(%run_scoped3A_45 : memref<!tpu.dma_semaphore, #tpu.memory_space<semaphore_mem>>)
          %dma_wait3A_58 = arith.constant 0 : i32
          %dma_wait3A_59 = arith.constant 0 : i32
          %dma_wait3A_60 = tpu.memref_slice %arg6[%run_scoped3A, %dma_wait3A_58, %dma_wait3A_59] : memref<2x128x64xf32, #tpu.memory_space<vmem>> -> memref<1x128x64xf32, #tpu.memory_space<vmem>>
          %dma_wait3A_61 = tpu.memref_squeeze %dma_wait3A_60 : memref<1x128x64xf32, #tpu.memory_space<vmem>> -> memref<128x64xf32, #tpu.memory_space<vmem>>
          %dma_wait3A_62 = arith.constant 0 : i32
          %dma_wait3A_63 = tpu.memref_slice %arg4[%mul3A_44, %dma_wait3A_62] : memref<425984x64xf32, #tpu.memory_space<hbm>> -> memref<128x64xf32, #tpu.memory_space<hbm>>
          %dma_wait3A_64 = arith.constant 0 : i32
          %dma_wait3A_65 = tpu.memref_slice %arg4[%mul3A_44, %dma_wait3A_64] : memref<425984x64xf32, #tpu.memory_space<hbm>> -> memref<128x64xf32, #tpu.memory_space<hbm>>
          %dma_wait3A_66 = arith.constant 0 : i32
          %dma_wait3A_67 = arith.constant 0 : i32
          %dma_wait3A_68 = tpu.memref_slice %arg6[%run_scoped3A, %dma_wait3A_66, %dma_wait3A_67] : memref<2x128x64xf32, #tpu.memory_space<vmem>> -> memref<1x128x64xf32, #tpu.memory_space<vmem>>
          %dma_wait3A_69 = tpu.memref_squeeze %dma_wait3A_68 : memref<1x128x64xf32, #tpu.memory_space<vmem>> -> memref<128x64xf32, #tpu.memory_space<vmem>>
          tpu.wait_dma2 semaphore(%run_scoped3A_45 : memref<!tpu.dma_semaphore, #tpu.memory_space<semaphore_mem>>) src(%dma_wait3A_69 : memref<128x64xf32, #tpu.memory_space<vmem>>) dst(%dma_wait3A_65 : memref<128x64xf32, #tpu.memory_space<hbm>>)
          tpu.yield
        }) : () -> ()
      } else {
        %dma_wait3A = arith.constant 1 : i32
        %dma_wait3A_32 = arith.constant 0 : i32
        %dma_wait3A_33 = arith.constant 0 : i32
        %dma_wait3A_34 = tpu.memref_slice %arg6[%dma_wait3A, %dma_wait3A_32, %dma_wait3A_33] : memref<2x128x64xf32, #tpu.memory_space<vmem>> -> memref<1x128x64xf32, #tpu.memory_space<vmem>>
        %dma_wait3A_35 = tpu.memref_squeeze %dma_wait3A_34 : memref<1x128x64xf32, #tpu.memory_space<vmem>> -> memref<128x64xf32, #tpu.memory_space<vmem>>
        %dma_wait3A_36 = arith.constant 0 : i32
        %dma_wait3A_37 = tpu.memref_slice %arg5[%scan3A_20, %dma_wait3A_36] : memref<104x128xi32, #tpu.memory_space<vmem>> -> memref<1x128xi32, #tpu.memory_space<vmem>>
        %dma_wait3A_38 = tpu.memref_squeeze %dma_wait3A_37 : memref<1x128xi32, #tpu.memory_space<vmem>> -> memref<128xi32, #tpu.memory_space<vmem>>
        %dma_wait3A_39 = arith.constant 0 : i32
        %dma_wait3A_40 = arith.constant 0 : i32
        %dma_wait3A_41 = tpu.memref_slice %arg2[%dma_wait3A_39, %dma_wait3A_40] : memref<2600000x64xf32, #tpu.memory_space<hbm>> -> memref<2600000x64xf32, #tpu.memory_space<hbm>>
        tpu.wait_indirect_dma semaphore(%arg8 : memref<!tpu.dma_semaphore, #tpu.memory_space<semaphore_mem>>) src(%dma_wait3A_41 : memref<2600000x64xf32, #tpu.memory_space<hbm>>) dst(%dma_wait3A_35 : memref<128x64xf32, #tpu.memory_space<vmem>>)
        %add3A_42 = arith.addi %mul3A_2, %scan3A_20 : i32
        %mul3A_43 = arith.constant 128 : i32
        %mul3A_44 = arith.muli %add3A_42, %mul3A_43 : i32
        %run_scoped3A = arith.constant 1 : i32
        "tpu.region"() ({
          %run_scoped3A_45 = tpu.sem_alloc : memref<!tpu.dma_semaphore, #tpu.memory_space<semaphore_mem>>
          %dma_start3A_46 = arith.constant 0 : i32
          %dma_start3A_47 = arith.constant 0 : i32
          %dma_start3A_48 = tpu.memref_slice %arg6[%run_scoped3A, %dma_start3A_46, %dma_start3A_47] : memref<2x128x64xf32, #tpu.memory_space<vmem>> -> memref<1x128x64xf32, #tpu.memory_space<vmem>>
          %dma_start3A_49 = tpu.memref_squeeze %dma_start3A_48 : memref<1x128x64xf32, #tpu.memory_space<vmem>> -> memref<128x64xf32, #tpu.memory_space<vmem>>
          %dma_start3A_50 = arith.constant 0 : i32
          %dma_start3A_51 = tpu.memref_slice %arg4[%mul3A_44, %dma_start3A_50] : memref<425984x64xf32, #tpu.memory_space<hbm>> -> memref<128x64xf32, #tpu.memory_space<hbm>>
          %dma_start3A_52 = arith.constant 0 : i32
          %dma_start3A_53 = tpu.memref_slice %arg4[%mul3A_44, %dma_start3A_52] : memref<425984x64xf32, #tpu.memory_space<hbm>> -> memref<128x64xf32, #tpu.memory_space<hbm>>
          %dma_start3A_54 = arith.constant 0 : i32
          %dma_start3A_55 = arith.constant 0 : i32
          %dma_start3A_56 = tpu.memref_slice %arg6[%run_scoped3A, %dma_start3A_54, %dma_start3A_55] : memref<2x128x64xf32, #tpu.memory_space<vmem>> -> memref<1x128x64xf32, #tpu.memory_space<vmem>>
          %dma_start3A_57 = tpu.memref_squeeze %dma_start3A_56 : memref<1x128x64xf32, #tpu.memory_space<vmem>> -> memref<128x64xf32, #tpu.memory_space<vmem>>
          tpu.enqueue_dma source(%dma_start3A_57 : memref<128x64xf32, #tpu.memory_space<vmem>>) target(%dma_start3A_53 : memref<128x64xf32, #tpu.memory_space<hbm>>) target_semaphore(%run_scoped3A_45 : memref<!tpu.dma_semaphore, #tpu.memory_space<semaphore_mem>>)
          %dma_wait3A_58 = arith.constant 0 : i32
          %dma_wait3A_59 = arith.constant 0 : i32
          %dma_wait3A_60 = tpu.memref_slice %arg6[%run_scoped3A, %dma_wait3A_58, %dma_wait3A_59] : memref<2x128x64xf32, #tpu.memory_space<vmem>> -> memref<1x128x64xf32, #tpu.memory_space<vmem>>
          %dma_wait3A_61 = tpu.memref_squeeze %dma_wait3A_60 : memref<1x128x64xf32, #tpu.memory_space<vmem>> -> memref<128x64xf32, #tpu.memory_space<vmem>>
          %dma_wait3A_62 = arith.constant 0 : i32
          %dma_wait3A_63 = tpu.memref_slice %arg4[%mul3A_44, %dma_wait3A_62] : memref<425984x64xf32, #tpu.memory_space<hbm>> -> memref<128x64xf32, #tpu.memory_space<hbm>>
          %dma_wait3A_64 = arith.constant 0 : i32
          %dma_wait3A_65 = tpu.memref_slice %arg4[%mul3A_44, %dma_wait3A_64] : memref<425984x64xf32, #tpu.memory_space<hbm>> -> memref<128x64xf32, #tpu.memory_space<hbm>>
          %dma_wait3A_66 = arith.constant 0 : i32
          %dma_wait3A_67 = arith.constant 0 : i32
          %dma_wait3A_68 = tpu.memref_slice %arg6[%run_scoped3A, %dma_wait3A_66, %dma_wait3A_67] : memref<2x128x64xf32, #tpu.memory_space<vmem>> -> memref<1x128x64xf32, #tpu.memory_space<vmem>>
          %dma_wait3A_69 = tpu.memref_squeeze %dma_wait3A_68 : memref<1x128x64xf32, #tpu.memory_space<vmem>> -> memref<128x64xf32, #tpu.memory_space<vmem>>
          tpu.wait_dma2 semaphore(%run_scoped3A_45 : memref<!tpu.dma_semaphore, #tpu.memory_space<semaphore_mem>>) src(%dma_wait3A_69 : memref<128x64xf32, #tpu.memory_space<vmem>>) dst(%dma_wait3A_65 : memref<128x64xf32, #tpu.memory_space<hbm>>)
          tpu.yield
        }) : () -> ()
      }
      %scan3A_31 = arith.constant 0 : i32
      scf.yield %scan3A_31 : i32
    }
    %scan3A_19 = arith.constant 104 : i32
    return
  }
}

module attributes {stable_mosaic.version = 14 : i64} {
  func.func @_tc_body(%arg0: i32, %arg1: memref<512x1664xf32, #tpu.memory_space<vmem>>, %arg2: memref<512x13xf32, #tpu.memory_space<vmem>>, %arg3: memref<1664x64xf32, #tpu.memory_space<vmem>>, %arg4: memref<13x64xf32, #tpu.memory_space<vmem>>, %arg5: memref<1x64xf32, #tpu.memory_space<vmem>>, %arg6: memref<64x64xf32, #tpu.memory_space<vmem>>, %arg7: memref<1x64xf32, #tpu.memory_space<vmem>>, %arg8: memref<512x64xf32, #tpu.memory_space<vmem>>) attributes {dimension_semantics = [#tpu.dimension_semantics<arbitrary>], iteration_bounds = array<i64: 32>, scalar_prefetch = 0 : i64, scratch_operands = 0 : i64, tpu.core_type = #tpu.core_type<tc>, window_params = [{transform_indices = @transform_0, window_bounds = array<i64: 512, 1664>}, {transform_indices = @transform_1, window_bounds = array<i64: 512, 13>}, {pipeline_mode = #tpu.pipeline_mode<synchronous>, transform_indices = @transform_2, window_bounds = array<i64: 1664, 64>}, {pipeline_mode = #tpu.pipeline_mode<synchronous>, transform_indices = @transform_3, window_bounds = array<i64: 13, 64>}, {pipeline_mode = #tpu.pipeline_mode<synchronous>, transform_indices = @transform_4, window_bounds = array<i64: 1, 64>}, {pipeline_mode = #tpu.pipeline_mode<synchronous>, transform_indices = @transform_5, window_bounds = array<i64: 64, 64>}, {pipeline_mode = #tpu.pipeline_mode<synchronous>, transform_indices = @transform_6, window_bounds = array<i64: 1, 64>}, {transform_indices = @transform_7, window_bounds = array<i64: 512, 64>}]} {
    %get3A = arith.constant 0 : index
    %get3A_0 = arith.constant 0 : index
    %get3A_1 = vector.load %arg2[%get3A, %get3A_0] : memref<512x13xf32, #tpu.memory_space<vmem>>, vector<512x13xf32>
    %get3A_2 = arith.constant 0 : index
    %get3A_3 = arith.constant 0 : index
    %get3A_4 = vector.load %arg4[%get3A_2, %get3A_3] : memref<13x64xf32, #tpu.memory_space<vmem>>, vector<13x64xf32>
    %dot_general3A = arith.constant dense<0.000000e+00> : vector<512x64xf32>
    %dot_general3A_5 = tpu.matmul %get3A_1, %get3A_4, %dot_general3A {dimension_numbers = #tpu.dot_dimension_numbers<[1], [0], [0], [1], [0, 0, 1, 1], [], []>, transpose_lhs_hint = false} : vector<512x13xf32>, vector<13x64xf32>, vector<512x64xf32> -> vector<512x64xf32>
    %get3A_6 = arith.constant 0 : index
    %get3A_7 = arith.constant 0 : index
    %get3A_8 = vector.load %arg5[%get3A_6, %get3A_7] : memref<1x64xf32, #tpu.memory_space<vmem>>, vector<1x64xf32>
    %add3A = vector.broadcast %get3A_8 : vector<1x64xf32> to vector<512x64xf32>
    %add3A_9 = arith.addf %dot_general3A_5, %add3A : vector<512x64xf32>
    %get3A_10 = arith.constant 0 : index
    %get3A_11 = arith.constant 0 : index
    %get3A_12 = vector.load %arg1[%get3A_10, %get3A_11] : memref<512x1664xf32, #tpu.memory_space<vmem>>, vector<512x1664xf32>
    %get3A_13 = arith.constant 0 : index
    %get3A_14 = arith.constant 0 : index
    %get3A_15 = vector.load %arg3[%get3A_13, %get3A_14] : memref<1664x64xf32, #tpu.memory_space<vmem>>, vector<1664x64xf32>
    %dot_general3A_16 = arith.constant dense<0.000000e+00> : vector<512x64xf32>
    %dot_general3A_17 = tpu.matmul %get3A_12, %get3A_15, %dot_general3A_16 {dimension_numbers = #tpu.dot_dimension_numbers<[1], [0], [0], [1], [0, 0, 1, 1], [], []>, transpose_lhs_hint = false} : vector<512x1664xf32>, vector<1664x64xf32>, vector<512x64xf32> -> vector<512x64xf32>
    %get3A_18 = arith.constant 0 : index
    %get3A_19 = arith.constant 0 : index
    %get3A_20 = vector.load %arg6[%get3A_18, %get3A_19] : memref<64x64xf32, #tpu.memory_space<vmem>>, vector<64x64xf32>
    %dot_general3A_21 = arith.constant dense<0.000000e+00> : vector<512x64xf32>
    %dot_general3A_22 = tpu.matmul %add3A_9, %get3A_20, %dot_general3A_21 {dimension_numbers = #tpu.dot_dimension_numbers<[1], [0], [0], [1], [0, 0, 1, 1], [], []>, transpose_lhs_hint = false} : vector<512x64xf32>, vector<64x64xf32>, vector<512x64xf32> -> vector<512x64xf32>
    %add3A_23 = arith.addf %dot_general3A_17, %dot_general3A_22 : vector<512x64xf32>
    %get3A_24 = arith.constant 0 : index
    %get3A_25 = arith.constant 0 : index
    %get3A_26 = vector.load %arg7[%get3A_24, %get3A_25] : memref<1x64xf32, #tpu.memory_space<vmem>>, vector<1x64xf32>
    %add3A_27 = vector.broadcast %get3A_26 : vector<1x64xf32> to vector<512x64xf32>
    %add3A_28 = arith.addf %add3A_23, %add3A_27 : vector<512x64xf32>
    %swap3A = arith.constant 0 : index
    %swap3A_29 = arith.constant 0 : index
    %swap3A_30 = vector.load %arg8[%swap3A, %swap3A_29] : memref<512x64xf32, #tpu.memory_space<vmem>>, vector<512x64xf32>
    tpu.vector_store %arg8[%swap3A, %swap3A_29], %add3A_28 {strides = array<i32>} : memref<512x64xf32, #tpu.memory_space<vmem>>, vector<512x64xf32>,
    return
  }
  func.func @transform_0(%arg0: i32) -> (i32, i32) {
    %c0_i32 = arith.constant 0 : i32
    %c0_i32_0 = arith.constant 0 : i32
    return %arg0, %c0_i32 : i32, i32
  }
  func.func @transform_1(%arg0: i32) -> (i32, i32) {
    %c0_i32 = arith.constant 0 : i32
    %c0_i32_0 = arith.constant 0 : i32
    return %arg0, %c0_i32 : i32, i32
  }
  func.func @transform_2(%arg0: i32) -> (i32, i32) {
    %c0_i32 = arith.constant 0 : i32
    %c0_i32_0 = arith.constant 0 : i32
    %c0_i32_1 = arith.constant 0 : i32
    return %c0_i32, %c0_i32_0 : i32, i32
  }
  func.func @transform_3(%arg0: i32) -> (i32, i32) {
    %c0_i32 = arith.constant 0 : i32
    %c0_i32_0 = arith.constant 0 : i32
    %c0_i32_1 = arith.constant 0 : i32
    return %c0_i32, %c0_i32_0 : i32, i32
  }
  func.func @transform_4(%arg0: i32) -> (i32, i32) {
    %c0_i32 = arith.constant 0 : i32
    %c0_i32_0 = arith.constant 0 : i32
    %c0_i32_1 = arith.constant 0 : i32
    return %c0_i32, %c0_i32_0 : i32, i32
  }
  func.func @transform_5(%arg0: i32) -> (i32, i32) {
    %c0_i32 = arith.constant 0 : i32
    %c0_i32_0 = arith.constant 0 : i32
    %c0_i32_1 = arith.constant 0 : i32
    return %c0_i32, %c0_i32_0 : i32, i32
  }
  func.func @transform_6(%arg0: i32) -> (i32, i32) {
    %c0_i32 = arith.constant 0 : i32
    %c0_i32_0 = arith.constant 0 : i32
    %c0_i32_1 = arith.constant 0 : i32
    return %c0_i32, %c0_i32_0 : i32, i32
  }
  func.func @transform_7(%arg0: i32) -> (i32, i32) {
    %c0_i32 = arith.constant 0 : i32
    %c0_i32_0 = arith.constant 0 : i32
    return %arg0, %c0_i32 : i32, i32
  }
}

</mosaic_0001>

<sc_bundles>
// kernel: kernel.4.cloned.1.call-start
scs
__scs_entry_jumppad:
0x0: {  	(pc) =	sbr.rel $0x88, $3  }
0x1: {  	(tag) =	ssettag $0x0;
	lr =	simm.s32 $0x1  }
0x2: {  	[smem:$0x3F9A] =	sst lr;
	_ =	strace $0xD0000000  }
0x3: {  	_ = 	snop  }
0x4: {  	_ = 	snop  }
0x5: {  	_ = 	snop  }
0x6: {  	_ = 	snop  }
0x7: {  	_ = 	snop  }
__scs_overlays_trampoline_lowered:
0x8: {  	[smem:$0x3FA9] =	sst s0  }
0x9: {  	[smem:$0x3FAA] =	sst s1  }
0xa: {  	[smem:$0x3FAB] =	sst s2  }
0xb: {  	[smem:$0x3FAC] =	sst s3  }
0xc: {  	[smem:$0x3FAD] =	sst s4  }
0xd: {  	[smem:$0x3FAE] =	sst s5  }
0xe: {  	[smem:$0x3FAF] =	sst s6  }
0xf: {  	[smem:$0x3FB0] =	sst s7  }
0x10: {  	[smem:$0x3FB1] =	sst s8  }
0x11: {  	[smem:$0x3FB2] =	sst s9;
	s0 =	simm.s32 @!p0 $0x0  }
0x12: {  	s1 =	sld [smem:$0x3F98];
	s0 =	simm.s32 @p0 $0x1  }
0x13: {  	[smem:$0x3FB3] =	sst s0;
	s0 =	simm.s32 @!p1 $0x0  }
0x14: {  	s2 =	sld [smem:$0x3F97];
	s0 =	simm.s32 @p1 $0x1  }
0x15: {  	[smem:$0x3FB4] =	sst s0;
	s0 =	simm.s32 @!p2 $0x0  }
0x16: {  	s3 =	sld [smem:$0x3FDB];
	s0 =	simm.s32 @p2 $0x1  }
0x17: {  	s4 =	simm.s32 $0x1BF5;
	[smem:$0x3FB6] =	sst s0  }
0x18: {  	s0 =	sld [smem:$0x3F99];
	_ =	swait.ge [sflag:s4], $0x0  }
0x19: {  	s7 =	sld [smem:$0x3F9A]  }
0x1a: {  	s8 =	sadd.s32 $0xFFFFE003, lr  }
0x1b: {  	s9 =	sadd.s32 $0xFFFFFEF7, lr;
	s5 =	simm.s32 $0xFFFFFFFF;
	p2 =	slt.u32 s8, $0xFFFFF086  }
0x1c: {  	p1 =	slt.u32 s9, $0xF7A;
	s5 =	simm.s32 @!p2 $0x0  }
0x1d: {  	s5 =	simm.s32 @p1 $0x1;
	p0 =	seq.s32 s7, s2  }
0x1e: {  	s7 =	smul.u32 @!p0 $0xF7A, s2;
	p2 =	seq.s32 @!p0 s5, $0x0  }
0x1f: {  	s9 =	smul.u32 $0xF7A, s1;
	s8 =	simm.s32 @!p0 $0x1BF5;
	p2 =	por !p2, p0  }
0x20: {  	[sflag:s8] =	ssyncset.s32 @!p0 $0xFFFFF086;
	s6 =	sadd.s32 @!p0 s3, s7;
	s7 =	simm.s32 @!p0 $0x108  }
0x21: {  	s3 =	sadd.s32 s3, s9;
	s6 =	sadd.s32 @!p0 $0x88, s6;
	s7 =	simm.s32 @p2 $0x1082  }
0x22: {  	[simem:s7], [sflag:s8] =	dma.local @!p0 [hbm:s6], $0xF7A  }
0x23: {  	s9 =	sor.u32 $0xD0000000, s2;
	s6 =	simm.s32 $0x108;
	_ =	swait.ge @!p0 [sflag:s8], $0x0  }
0x24: {  	s3 =	sadd.s32 $0x88, s3;
	s6 =	simm.s32 @!p1 $0x1082;
	[sflag:s4] =	ssyncset.s32 $0xFFFFF086  }
0x25: {  	[simem:s6], [sflag:s4] =	dma.local [hbm:s3], $0xF7A  }
0x26: {  	[smem:$0x3F9A] =	sst s1;
	(tag) =	ssettag s2;
	_ =	strace s9  }
0x27: {  	s1 =	sld [smem:$0x3FAA]  }
0x28: {  	s2 =	sld [smem:$0x3FAB]  }
0x29: {  	s4 =	sld [smem:$0x3FAD]  }
0x2a: {  	p0 =	seq.s32 s5, $0x0;
	s5 =	sld [smem:$0x3FAE]  }
0x2b: {  	s6 =	sld [smem:$0x3FAF]  }
0x2c: {  	s7 =	sld [smem:$0x3FB0]  }
0x2d: {  	s3 =	simm.s32 $0x108;
	s8 =	sld [smem:$0x3FB1]  }
0x2e: {  	s3 =	simm.s32 @!p0 $0x1082;
	s9 =	sld [smem:$0x3FB2]  }
0x2f: {  	lr =	sadd.s32 s0, s3;
	s0 =	sld [smem:$0x3FA9]  }
0x30: {  	s3 =	sld [smem:$0x3FAC]  }
0x31: {  	[smem:$0x3FB5] =	sst s10  }
0x32: {  	s10 =	sld [smem:$0x3FB3];
	_ =	sdelay $0x3  }
0x33: {  	p0 =	seq.s32 s10, $0x1;
	s10 =	sld [smem:$0x3FB5];
	_ =	sdelay $0x3  }
0x34: {  	[smem:$0x3FB5] =	sst s10  }
0x35: {  	s10 =	sld [smem:$0x3FB4];
	_ =	sdelay $0x3  }
0x36: {  	p1 =	seq.s32 s10, $0x1;
	s10 =	sld [smem:$0x3FB5];
	_ =	sdelay $0x3  }
0x37: {  	[smem:$0x3FB5] =	sst s10  }
0x38: {  	s10 =	sld [smem:$0x3FB6]  }
0x39: {  	_ = 	snop;
	(pc) =	sbr.ind lr, $3  }
0x3a: {  	_ = 	snop  }
0x3b: {  	_ = 	snop  }
0x3c: {  	p2 =	seq.s32 s10, $0x1;
	s10 =	sld [smem:$0x3FB5]  }
0x3d: {  	_ =	shalt  }
0x3e: {  	_ =	shalt  }
0x3f: {  	_ =	shalt  }
0x40: {  	_ =	shalt  }
0x41: {  	_ =	shalt  }
0x42: {  	_ =	shalt  }
0x43: {  	_ =	shalt  }
0x44: {  	_ =	shalt  }
0x45: {  	_ =	shalt  }
0x46: {  	_ =	shalt  }
0x47: {  	_ =	shalt  }
0x48: {  	_ =	shalt  }
0x49: {  	_ =	shalt  }
0x4a: {  	_ =	shalt  }
0x4b: {  	_ =	shalt  }
0x4c: {  	_ =	shalt  }
0x4d: {  	_ =	shalt  }
0x4e: {  	_ =	shalt  }
0x4f: {  	_ =	shalt  }
0x50: {  	_ =	shalt  }
0x51: {  	_ =	shalt  }
0x52: {  	_ =	shalt  }
0x53: {  	_ =	shalt  }
0x54: {  	_ =	shalt  }
0x55: {  	_ =	shalt  }
0x56: {  	_ =	shalt  }
0x57: {  	_ =	shalt  }
0x58: {  	_ =	shalt  }
0x59: {  	_ =	shalt  }
0x5a: {  	_ =	shalt  }
0x5b: {  	_ =	shalt  }
0x5c: {  	_ =	shalt  }
0x5d: {  	_ =	shalt  }
0x5e: {  	_ =	shalt  }
0x5f: {  	_ =	shalt  }
0x60: {  	_ =	shalt  }
0x61: {  	_ =	shalt  }
0x62: {  	_ =	shalt  }
0x63: {  	_ =	shalt  }
0x64: {  	_ =	shalt  }
0x65: {  	_ =	shalt  }
0x66: {  	_ =	shalt  }
0x67: {  	_ =	shalt  }
0x68: {  	_ =	shalt  }
0x69: {  	_ =	shalt  }
0x6a: {  	_ =	shalt  }
0x6b: {  	_ =	shalt  }
0x6c: {  	_ =	shalt  }
0x6d: {  	_ =	shalt  }
0x6e: {  	_ =	shalt  }
0x6f: {  	_ =	shalt  }
0x70: {  	_ =	shalt  }
0x71: {  	_ =	shalt  }
0x72: {  	_ =	shalt  }
0x73: {  	_ =	shalt  }
0x74: {  	_ =	shalt  }
0x75: {  	_ =	shalt  }
0x76: {  	_ =	shalt  }
0x77: {  	_ =	shalt  }
0x78: {  	_ =	shalt  }
0x79: {  	_ =	shalt  }
0x7a: {  	_ =	shalt  }
0x7b: {  	_ =	shalt  }
0x7c: {  	_ =	shalt  }
0x7d: {  	_ =	shalt  }
0x7e: {  	_ =	shalt  }
0x7f: {  	_ =	shalt  }
0x80: {  	_ =	shalt  }
0x81: {  	_ =	shalt  }
0x82: {  	_ =	shalt  }
0x83: {  	_ =	shalt  }
0x84: {  	_ =	shalt  }
0x85: {  	_ =	shalt  }
0x86: {  	_ =	shalt  }
0x87: {  	_ =	shalt  }
.Lfunc_end0:
.L_simem_size_0:
called_computation_lowered:
.L_overlay_start_0:
0x88: {  	s2 =	sld [smem:$0x3FD9]  }
0x89: {  	s3 =	sld [smem:$0x3FFE];
	_ =	sdelay $0x1  }
0x8a: {  	s1 =	srdreg.scid  }
0x8b: {  	s0 =	sand.u32 $0x1, s1  }
0x8c: {  	s17 =	sshll.u32 s0, $0xA;
	s2 =	sadd.s32 s3, s2  }
0x8d: {  	s2 =	sadd.s32 s2, s17  }
0x8e: {  	[smem:$0x3FC1] =	sst s2  }
0x8f: {  	_ = 	snop  }
0x90: {  	s2 =	sld [smem:$0x3FD0];
	(tm) =	ssettm $0x1  }
0x91: {  	s18 =	sld [smem:$0x3FFB];
	_ =	sdelay $0x3  }
0x92: {  	_ =	strace s18  }
0x93: {  	s3 =	sld [smem:$0x3FFC];
	_ =	sdelay $0x3  }
0x94: {  	_ =	strace s3  }
0x95: {  	s3 =	sld [smem:$0x3FFD];
	_ =	sdelay $0x3  }
0x96: {  	_ =	strace s3  }
0x97: {  	_ =	strace $0x8FFFFFFF  }
0x98: {  	s19 =	sld [smem:$0x3FDB];
	_ =	sdelay $0x1  }
0x99: {  	s4 =	simm.s32 $_scs_section_size  }
0x9a: {  	s5 =	simm.s32 $_size__tile_overlayer_lowered;
	s6 =	simm.s32 $_tile_overlayer_lowered  }
0x9b: {  	s22 =	simm.s32 $0x1BFF;
	s21 =	sshll.u32 s6, $0x1;
	s3 =	sadd.s32 s4, s19  }
0x9c: {  	s7 =	simm.s32 $0x0;
	s20 =	sshll.u32 s5, $0x1;
	s5 =	sadd.s32 s21, s3  }
0x9d: {  	[timem:s7], [sflag:s22] =	dma.local [hbm:s5], s20  }
0x9e: {  	_ =	swait.ge [sflag:s22], s20  }
0x9f: {  	s4 =	ssub.s32 $0x0, s20;
	[sflag:s22] =	ssyncset.done $0x0  }
0xa0: {  	[sflag:s22] =	ssyncadd.s32 s4;
	_ =	sdelay $0x1  }
0xa1: {  	s23 =	simm.s32 $0x1B8B  }
0xa2: {  	_ =	swait.ge [sflag:s23], $0x1  }
0xa3: {  	[sflag:s23] =	ssyncset.done $0x0  }
0xa4: {  	s25 =	simm.s32 $0x1B8E;
	s24 =	sld [smem:$0x3FFE];
	[sflag:s23] =	ssyncadd.s32 $0xFFFFFFFF  }
0xa5: {  	s26 =	simm.s32 $execute0_lowered;
	[smem:$0x3FD2] =	sst s25  }
0xa6: {  	s5 =	sshll.u32 s26, $0x1;
	_ =	strace $0x80000046;
	[dreg:$0x1] =	wrdreg $0xFFFFFFFF  }
0xa7: {  	s28 =	simm.s32 $_size_execute0_lowered;
	s3 =	sadd.s32 s3, s5;
	[dreg:$0x0] =	wrdreg $0x0  }
0xa8: {  	s5 =	sshll.u32 s28, $0x1;
	[dreg:$0x2] =	wrdreg s3  }
0xa9: {  	[dreg:$0x3] =	wrdreg s5  }
0xaa: {  	[dreg:$0x4] =	wrdreg $0xC0  }
0xab: {  	_ =	task [dreg:s7], $0x5FFFF  }
0xac: {  	[dreg:$0x1] =	wrdreg $0xFFFFFFFF  }
0xad: {  	[dreg:$0x0] =	wrdreg $0x60  }
0xae: {  	[dreg:$0x2] =	wrdreg s24  }
0xaf: {  	[dreg:$0x3] =	wrdreg s2  }
0xb0: {  	[dreg:$0x4] =	wrdreg $0x9  }
0xb1: {  	_ =	task.clear_ibuf [dreg:s7], $0x5FFFF;
	_ =	strace $0x90000046  }
0xb2: {  	s29 =	simm.s32 $0x9;
	_ =	strace $0x80000048  }
0xb3: {  	_ =	swait.ge [sflag:s29], $0x1  }
0xb4: {  	[sflag:s29] =	ssyncadd.s32 $0xFFFFFFFF  }
0xb5: {  	_ =	strace $0x90000048  }
0xb6: {  	_ =	sfence  }
0xb7: {  	s30 =	sld [smem:$0x0];
	_ =	sdelay $0x2  }
0xb8: {  	s31 =	sshll.u32 s1, $0xD;
	s1 =	sshrl.u32 s1, $0x2  }
0xb9: {  	s3 =	sand.u32 $0x4000, s31;
	s1 =	sadd.s32 s1, s30  }
0xba: {  	s0 =	sor.u32 s3, s0;
	s1 =	sshll.u32 s1, $0x11  }
0xbb: {  	s0 =	sor.u32 s1, s0  }
0xbc: {  	s0 =	sadd.s32 $0x8F2B, s0  }
0xbd: {  	[sflag:s0] =	ssyncadd.remote.s32 $0x1  }
0xbe: {  	_ =	sfence.sel $0xFFFF  }
0xbf: {  	[dreg:$0x0] =	wrdreg $0xFFFFFFFF;
	(pc) =	sbr.abs _section_cstart, $3  }
0xc0: {  	[dreg:$0x1] =	wrdreg $0xFFFFFFFF  }
0xc1: {  	_ =	task.clear_ibuf [dreg:s7], $0x2FFFF;
	_ =	strace $0x9FFFFFFF  }
0xc2: {  	(tm) =	ssettm $0x7FFFFFFF  }
0xc3: {  	_ =	shalt  }
tec
execute0_lowered:
.L_overlay_start_1:
0x0: {  	(tag) =	ssettag $0x1  }
0x1: {  	s4 =	rddreg [dreg:$0x0];
	s1 =	srdreg.scid  }
0x2: {  	s0 =	stileid.u32;
	s5 =	rddreg [dreg:$0x1]  }
0x3: {  	s2 =	simm.s32 $0x0;
	s13 =	simm.s32 $0x4;
	s14 =	simm.s32 $0x0  }
0x4: {  	s6 =	sand.u32 $0x1, s1;
	s3 =	sshll.u32 s0, $0x1;
	s10 =	smul.u32 $0x34000, s0  }
0x5: {  	s1 =	rddreg [dreg:$0x2];
	s3 =	sor.u32 s6, s3;
	s12 =	smul.u32 $0x1A000, s6  }
0x6: {  	[smem:$0x7FF] =	sst s2;
	s9 =	ssub.s32 $0x2, s6;
	s7 =	smul.u32 $0x680, s3  }
0x7: {  	_ =	strace $0x80000047;
	s8 =	smul.u32 $0x1A000, s3;
	s11 =	sshrl.u32 s9, $0x1  }
0x8: {  	s3 =	sadd.s32 $0x27ADC00, s4;
	s4 =	sadd.s32 $0x1800, s4;
	s30 =	ssub.s32 s9, s11  }
0x9: {  	s9 =	simm.s32 $0x3;
	s11 =	simm.s32 $0x2;
	s5 =	sadd.s32 s5, s7  }
0xa: {  	s31 =	sadd.s32 s4, s8;
	s6 =	smax.u32 s30, $0x1;
	s8 =	sadd.s32 s12, s10  }
0xb: {  	s10 =	simm.s32 $0x3400;
	s12 =	simm.s32 $0x5400;
	s7 =	sadd.s32 $0x19C00, s31  }
.LBB2_1:
0xc: {  	[tilespmem:s2], [sflag:$0x3] =	stream.linear.gather [hbm4b:s5+s2], $0x3400, $0x38;
	[tilespmem:$0x7400] =	vst v63  }
0xd: {  	_ =	swait.ge [sflag:s9], $0x3400  }
0xe: {  	s16 =	sand.u32 $0x1, s2;
	[sflag:s9] =	ssyncset.done $0x0  }
0xf: {  	s15 =	simm.s32 $0x80;
	p0 =	seq.s32 s16, $0x1;
	[sflag:s9] =	ssyncadd.s32 $0xFFFFCC00  }
0x10: {  	[tilespmem:s10], [sflag:$0x1] =	stream.indirect.gather [hbm4b:s3+s15], $0x40, s2, s15, $0xb8;
	[tilespmem:$0x7400] =	vst v63  }
0x11: {  	s16 =	simm.s32 @p0 $0x80;
	s17 =	simm.s32 @p0 $0x3400;
	s18 =	simm.s32 @p0 $0x2  }
0x12: {  	[tilespmem:s17], [sflag:$0x1] =	stream.indirect.gather @p0 [hbm4b:s3+s16], $0x40, s15, s16, $0xb8;
	[tilespmem:$0x7400] =	vst v63  }
0x13: {  	_ =	swait.ge @p0 [sflag:s18], $0x2000  }
0x14: {  	s31 =	simm.s32 $0x1;
	s19 =	simm.s32 @p0 $0x0;
	[sflag:s18] =	ssyncset.done @p0 $0x0  }
0x15: {  	s17 =	simm.s32 @p0 $0x5400;
	[sflag:s18] =	ssyncadd.s32 @p0 $0xFFFFE000;
	s18 =	sadd.s32 @p0 s8, s4  }
0x16: {  	[hbm4b:s18+s19] =	stream.linear.scatter @p0 [tilespmem:s17], [sflag:$0x4], $0x2000, $0x38;
	[tilespmem:$0x7400] =	vst v63  }
0x17: {  	s17 =	simm.s32 @!p0 $0x80;
	s18 =	simm.s32 @!p0 $0x5400;
	s19 =	simm.s32 @!p0 $0x1  }
0x18: {  	[tilespmem:s18], [sflag:$0x2] =	stream.indirect.gather @!p0 [hbm4b:s3+s17], $0x40, s15, s17, $0xb8;
	[tilespmem:$0x7400] =	vst v63  }
0x19: {  	s15 =	sand.u32 @!p0 $0x1FFFF800, s8;
	s18 =	simm.s32 @!p0 $0x3;
	_ =	swait.ge @!p0 [sflag:s19], $0x2000  }
0x1a: {  	s17 =	simm.s32 @!p0 $0x0;
	s15 =	sadd.s32 @!p0 s4, s15;
	[sflag:s19] =	ssyncset.done @!p0 $0x0  }
0x1b: {  	s18 =	simm.s32 @p0 $0x4;
	[sflag:s19] =	ssyncadd.s32 @!p0 $0xFFFFE000;
	s19 =	simm.s32 @!p0 $0x3400  }
0x1c: {  	[hbm4b:s15+s17] =	stream.linear.scatter @!p0 [tilespmem:s19], [sflag:$0x3], $0x2000, $0x38;
	[tilespmem:$0x7400] =	vst v63  }
0x1d: {  	s16 =	sadd.s32 $0x400, s8;
	s17 =	simm.s32 $0x2;
	_ =	swait.ge [sflag:s18], $0x2000  }
0x1e: {  	s15 =	simm.s32 $0x100;
	s19 =	sand.u32 $0x1, s31;
	[sflag:s18] =	ssyncset.done $0x0  }
.LBB2_2:
0x1f: {  	p0 =	seq.s32 s19, $0x1  }
0x20: {  	[sflag:s18] =	ssyncadd.s32 $0xFFFFE000;
	s19 =	smov.u32 s17;
	s17 =	sadd.s32 $0x1, s17  }
0x21: {  	s18 =	simm.s32 @p0 $0x80;
	s20 =	simm.s32 @p0 $0x3400;
	s21 =	simm.s32 @p0 $0x2  }
0x22: {  	[tilespmem:s20], [sflag:$0x1] =	stream.indirect.gather @p0 [hbm4b:s3+s18], $0x40, s15, s18, $0xb8;
	[tilespmem:$0x7400] =	vst v63  }
0x23: {  	s20 =	sand.u32 @!p0 $0x1FFFF800, s16;
	s18 =	simm.s32 @!p0 $0x3;
	_ =	swait.ge @p0 [sflag:s21], $0x2000  }
0x24: {  	s22 =	simm.s32 @p0 $0x5400;
	s20 =	sadd.s32 @!p0 s4, s20;
	[sflag:s21] =	ssyncset.done @p0 $0x0  }
0x25: {  	s23 =	simm.s32 @p0 $0x0;
	[sflag:s21] =	ssyncadd.s32 @p0 $0xFFFFE000;
	s21 =	sadd.s32 @p0 s16, s4  }
0x26: {  	[hbm4b:s21+s23] =	stream.linear.scatter @p0 [tilespmem:s22], [sflag:$0x4], $0x2000, $0x38;
	[tilespmem:$0x7400] =	vst v63  }
0x27: {  	s21 =	simm.s32 @!p0 $0x80;
	s22 =	simm.s32 @!p0 $0x5400;
	s23 =	simm.s32 @!p0 $0x1  }
0x28: {  	[tilespmem:s22], [sflag:$0x2] =	stream.indirect.gather @!p0 [hbm4b:s3+s21], $0x40, s15, s21, $0xb8;
	[tilespmem:$0x7400] =	vst v63  }
0x29: {  	p1 =	sne.s32 s17, $0x67;
	_ =	swait.ge @!p0 [sflag:s23], $0x2000  }
.Ltmp0:
0x2a: {  	s18 =	simm.s32 @p0 $0x4;
	[sflag:s23] =	ssyncset.done @!p0 $0x0;
	(pc) =	sbr.rel @p1 .LBB2_2-.Ltmp0, $4  }
0x2b: {  	s21 =	simm.s32 @!p0 $0x0;
	s22 =	simm.s32 @!p0 $0x3400;
	[sflag:s23] =	ssyncadd.s32 @!p0 $0xFFFFE000  }
0x2c: {  	[hbm4b:s20+s21] =	stream.linear.scatter @!p0 [tilespmem:s22], [sflag:$0x3], $0x2000, $0x38;
	[tilespmem:$0x7400] =	vst v63  }
0x2d: {  	s15 =	sadd.s32 $0x80, s15;
	_ =	swait.ge [sflag:s18], $0x2000  }
0x2e: {  	s19 =	sand.u32 $0x1, s19;
	s16 =	sadd.s32 $0x400, s16;
	[sflag:s18] =	ssyncset.done $0x0  }
0x2f: {  	p0 =	seq.s32 s19, $0x1;
	[sflag:s18] =	ssyncadd.s32 $0xFFFFE000  }
0x30: {  	s17 =	simm.s32 @p0 $0x80;
	s18 =	simm.s32 @p0 $0x3400;
	s19 =	simm.s32 @p0 $0x2  }
0x31: {  	[tilespmem:s18], [sflag:$0x1] =	stream.indirect.gather @p0 [hbm4b:s3+s17], $0x40, s15, s17, $0xb8;
	[tilespmem:$0x7400] =	vst v63  }
0x32: {  	_ =	swait.ge @p0 [sflag:s19], $0x2000  }
0x33: {  	s17 =	simm.s32 @p0 $0x5400;
	[sflag:s19] =	ssyncset.done @p0 $0x0  }
0x34: {  	s18 =	sadd.s32 @p0 s16, s4;
	[sflag:s19] =	ssyncadd.s32 @p0 $0xFFFFE000;
	s19 =	simm.s32 @p0 $0x0  }
0x35: {  	[hbm4b:s18+s19] =	stream.linear.scatter @p0 [tilespmem:s17], [sflag:$0x4], $0x2000, $0x38;
	[tilespmem:$0x7400] =	vst v63  }
0x36: {  	s17 =	simm.s32 @!p0 $0x80;
	s18 =	simm.s32 @!p0 $0x5400;
	s19 =	simm.s32 @!p0 $0x1  }
0x37: {  	[tilespmem:s18], [sflag:$0x2] =	stream.indirect.gather @!p0 [hbm4b:s3+s17], $0x40, s15, s17, $0xb8;
	[tilespmem:$0x7400] =	vst v63  }
0x38: {  	s15 =	sand.u32 @!p0 $0x1FFFF800, s16;
	s16 =	simm.s32 @!p0 $0x3;
	_ =	swait.ge @!p0 [sflag:s19], $0x2000  }
0x39: {  	s17 =	simm.s32 @!p0 $0x0;
	s18 =	simm.s32 @!p0 $0x3400;
	[sflag:s19] =	ssyncset.done @!p0 $0x0  }
0x3a: {  	s15 =	sadd.s32 @!p0 s4, s15;
	s16 =	simm.s32 @p0 $0x4;
	[sflag:s19] =	ssyncadd.s32 @!p0 $0xFFFFE000  }
0x3b: {  	[hbm4b:s15+s17] =	stream.linear.scatter @!p0 [tilespmem:s18], [sflag:$0x3], $0x2000, $0x38;
	[tilespmem:$0x7400] =	vst v63  }
0x3c: {  	_ =	swait.ge [sflag:s16], $0x2000  }
0x3d: {  	[sflag:s16] =	ssyncset.done $0x0  }
0x3e: {  	[sflag:s16] =	ssyncadd.s32 $0xFFFFE000  }
0x3f: {  	s14 =	sadd.s32 $0x1, s14;
	_ =	swait.ge [sflag:s11], $0x2000  }
0x40: {  	p0 =	sne.s32 s14, s6;
	[sflag:s11] =	ssyncset.done $0x0  }
.Ltmp1:
0x41: {  	[sflag:s11] =	ssyncadd.s32 $0xFFFFE000;
	(pc) =	sbr.rel @p0 .LBB2_1-.Ltmp1, $4  }
0x42: {  	[hbm4b:s7+s2] =	stream.linear.scatter [tilespmem:s12], [sflag:$0x4], $0x2000, $0x38;
	[tilespmem:$0x7400] =	vst v63  }
0x43: {  	_ =	swait.ge [sflag:s13], $0x2000  }
0x44: {  	[sflag:s13] =	ssyncset.done $0x0  }
0x45: {  	[sflag:s13] =	ssyncadd.s32 $0xFFFFE000  }
0x46: {  	_ =	sfence.sel $0x180000  }
0x47: {  	[bflag:$0x0] =	sbarrier.arrive $0xFFFF  }
0x48: {  	p0 =	sne.s32 s0, $0x0;
	_ =	strace $0x90000047  }
0x49: {  	s0 =	sadd.s32 @!p0 $0x100000, s1;
	[bflag:$0x2] =	sbarrier.arrive $0xFFFF  }
0x4a: {  	[sflag:s0] =	ssyncadd.tile.s32 @!p0 $0x1;
	_ =	shalt  }
.Lfunc_end2:
_tile_overlayer_lowered:
.L_overlay_start_2:
0x4b: {  	(tag) =	ssettag $0x2  }
0x4c: {  	s0 =	rddreg [dreg:$0x0];
	s2 =	stileid.u32  }
0x4d: {  	s1 =	rddreg [dreg:$0x1];
	p0 =	sne.s32 s2, $0x0  }
0x4e: {  	s3 =	rddreg [dreg:$0x2];
	[bflag:$0x3] =	sbarrier.arrive $0xFFFF;
	s2 =	simm.s32 @!p0 $0x1C03  }
0x4f: {  	[timem:s3], [sflag:s2] =	dma.local @!p0 [hbm:s0], s1  }
0x50: {  	s0 =	simm.s32 @!p0 $0x3  }
0x51: {  	_ =	swait.ge @!p0 [sflag:s0], s1  }
0x52: {  	s1 =	ssub.s32 @!p0 $0x0, s1;
	[sflag:s0] =	ssyncset.done @!p0 $0x0  }
0x53: {  	[sflag:s0] =	ssyncadd.s32 @!p0 s1  }
0x54: {  	[bflag:$0x3] =	sbarrier.arrive $0xFFFF  }
0x55: {  	_ =	shalt  }

</sc_bundles>
